<compile_context>
chip_gen: v7x
topology: tpu7x:2x2x1
jax: 0.10.2.dev20260603
libtpu: 0.0.44.dev20260713+nightly
codegen_flags: <defaults>
</compile_context>

<pallas_src>
import jax
import jax.numpy as jnp
from jax.experimental import pallas as pl
from jax.experimental.pallas import tpu as pltpu

NUM_EXPERTS = 8
TOP_K = 2
BLK = 128


def _routing_metadata(expert_indices, expert_weights, T):
    P = T * TOP_K
    PP = P + NUM_EXPERTS * BLK
    NB = PP // BLK
    flat_e = expert_indices.reshape(P).astype(jnp.int32)
    flat_w = expert_weights.reshape(P)
    oh = (flat_e[:, None] == jnp.arange(NUM_EXPERTS, dtype=jnp.int32)[None, :])
    csum = jnp.cumsum(oh.astype(jnp.int32), axis=0)
    counts = csum[-1]
    local = jnp.take_along_axis(csum, flat_e[:, None], axis=1)[:, 0] - 1
    nb = (counts + BLK - 1) // BLK
    blk_start = jnp.concatenate([jnp.zeros(1, nb.dtype), jnp.cumsum(nb)[:-1]])
    dst = blk_start[flat_e] * BLK + local
    tok = jnp.zeros(PP, jnp.int32).at[dst].set(
        (jnp.arange(P, dtype=jnp.int32) // TOP_K))
    wgt = jnp.zeros(PP, jnp.float32).at[dst].set(flat_w)
    block_expert = jnp.searchsorted(
        jnp.cumsum(nb), jnp.arange(NB), side="right"
    ).astype(jnp.int32)
    block_expert = jnp.minimum(block_expert, NUM_EXPERTS - 1)
    return tok, wgt.reshape(NB, 1, BLK), block_expert, NB


def _moe_block(be_ref, tok_ref, x_ref, gup_ref, dp_ref, wgt_ref, o_ref, xs, ys):
    b = pl.program_id(0)

    @pl.when(b == 0)
    def _init():
        o_ref[...] = jnp.zeros(o_ref.shape, o_ref.dtype)


def kernel(hidden_states, gate_up_proj, down_proj, expert_indices, expert_weights):
    B, S, H = hidden_states.shape
    T = B * S
    E, _, I2 = gate_up_proj.shape
    I = I2 // 2
    flat = hidden_states.reshape(T, H)

    tok, wgt, block_expert, NB = _routing_metadata(expert_indices, expert_weights, T)

    grid_spec = pltpu.PrefetchScalarGridSpec(
        num_scalar_prefetch=2,
        grid=(NB,),
        in_specs=[
            pl.BlockSpec((T, H), lambda b, be, tk: (0, 0)),
            pl.BlockSpec((1, H, I2), lambda b, be, tk: (be[b], 0, 0)),
            pl.BlockSpec((1, I, H), lambda b, be, tk: (be[b], 0, 0)),
            pl.BlockSpec((1, 1, BLK), lambda b, be, tk: (b, 0, 0)),
        ],
        out_specs=pl.BlockSpec((T, H), lambda b, be, tk: (0, 0)),
        scratch_shapes=[
            pltpu.VMEM((BLK, H), jnp.float32),
            pltpu.VMEM((BLK, H), jnp.float32),
        ],
    )
    out = pl.pallas_call(
        _moe_block,
        grid_spec=grid_spec,
        out_shape=jax.ShapeDtypeStruct((T, H), jnp.float32),
    )(
        block_expert,
        tok,
        flat,
        gate_up_proj,
        down_proj,
        wgt,
    )
    return out.reshape(B, S, H)

# --- scband reference (transcript-rebuilt; emitter-appended) ---
"""Pipeline reference for scband-nkimo-elayer-77670188581355 (READ-ONLY COPY).

The authoritative reference and input builder live on the scoring server;
editing this copy changes nothing except your own understanding.
"""

import jax, jax.numpy as jnp
import numpy as np

NUM_EXPERTS = 8
TOP_K = 2
HIDDEN = 1024
INTERM = 1024
BATCH = 1
SEQ = 2048


def setup_inputs(seed: int = 0) -> dict:
    key = jax.random.key(seed)
    k1, k2, k3, k4, k5 = jax.random.split(key, 5)
    hidden_states = jax.random.normal(k1, (BATCH, SEQ, HIDDEN), dtype=jnp.float32)
    gate_up_proj = jax.random.normal(k2, (NUM_EXPERTS, HIDDEN, 2 * INTERM), dtype=jnp.float32) * 0.02
    down_proj = jax.random.normal(k3, (NUM_EXPERTS, INTERM, HIDDEN), dtype=jnp.float32) * 0.02
    expert_indices = jax.random.randint(k4, (BATCH * SEQ, TOP_K), 0, NUM_EXPERTS, dtype=jnp.int32)
    expert_weights = jax.random.uniform(k5, (BATCH * SEQ, TOP_K), dtype=jnp.float32)
    return {
        "hidden_states": hidden_states,
        "gate_up_proj": gate_up_proj,
        "down_proj": down_proj,
        "expert_indices": expert_indices,
        "expert_weights": expert_weights,
    }


def reference(hidden_states, gate_up_proj, down_proj, expert_indices, expert_weights):
    # Faithful vectorized translation of NKIMoELayer._pytorch_forward:
    # for each token t and each of its top_k experts e with weight w:
    #   gu = x_t @ gate_up_proj[e]; g, u = split(gu); act = silu(g) * u
    #   out_t += w * (act @ down_proj[e])
    # Implemented as a dense per-expert pass with per-token routing weights
    # (mathematically identical: tokens not routed to expert e get weight 0).
    B, S, H = hidden_states.shape
    flat = hidden_states.reshape(-1, H)
    E = gate_up_proj.shape[0]
    I = down_proj.shape[1]
    out = jnp.zeros_like(flat)
    for e in range(E):
        gu = flat @ gate_up_proj[e]  # [T, 2I]
        g = gu[:, :I]
        u = gu[:, I:]
        act = g * jax.nn.sigmoid(g) * u  # silu(g) * u
        expert_out = act @ down_proj[e]  # [T, H]
        # per-token routing weight for expert e (sum over top_k slots)
        w = jnp.sum(jnp.where(expert_indices == e, expert_weights, 0.0), axis=1)
        out = out + expert_out * w[:, None]
    return out.reshape(B, S, H)

if __name__ == "__main__":
    import jax
    _d = setup_inputs()
    print(jax.jit(kernel)(*tuple(_d.values())))

</pallas_src>

<mosaic_0001>
module attributes {stable_mosaic.version = 14 : i64} {
  func.func @_moe_block(%arg0: i32, %arg1: memref<40xi32, #tpu.memory_space<smem>>, %arg2: memref<5120xi32, #tpu.memory_space<smem>>, %arg3: memref<2048x1024xf32, #tpu.memory_space<vmem>>, %arg4: memref<1x1024x2048xf32, #tpu.memory_space<vmem>>, %arg5: memref<1x1024x1024xf32, #tpu.memory_space<vmem>>, %arg6: memref<1x1x128xf32, #tpu.memory_space<vmem>>, %arg7: memref<2048x1024xf32, #tpu.memory_space<vmem>>, %arg8: memref<128x1024xf32, #tpu.memory_space<vmem>>, %arg9: memref<128x1024xf32, #tpu.memory_space<vmem>>) attributes {dimension_semantics = [#tpu.dimension_semantics<arbitrary>], iteration_bounds = array<i64: 40>, scalar_prefetch = 2 : i64, scratch_operands = 2 : i64, tpu.core_type = #tpu.core_type<tc>, window_params = [{pipeline_mode = #tpu.pipeline_mode<synchronous>, transform_indices = @transform_0, window_bounds = array<i64: 2048, 1024>}, {transform_indices = @transform_1, window_bounds = array<i64: 1, 1024, 2048>}, {transform_indices = @transform_2, window_bounds = array<i64: 1, 1024, 1024>}, {transform_indices = @transform_3, window_bounds = array<i64: 1, 1, 128>}, {pipeline_mode = #tpu.pipeline_mode<synchronous>, transform_indices = @transform_4, window_bounds = array<i64: 2048, 1024>}]} {
    %eq3A = arith.constant 0 : i32
    %eq3A_0 = arith.cmpi eq, %arg0, %eq3A : i32
    %convert_element_type3A = arith.extui %eq3A_0 : i1 to i32
    %cond3A = arith.constant 0 : i32
    %cond3A_1 = arith.cmpi ne, %convert_element_type3A, %cond3A : i32
    scf.if %cond3A_1 {
      %broadcast_in_dim3A = arith.constant 0.000000e+00 : f32
      %broadcast_in_dim3A_2 = vector.broadcast %broadcast_in_dim3A : f32 to vector<2048x1024xf32>
      %swap3A = arith.constant 0 : index
      %swap3A_3 = arith.constant 0 : index
      %swap3A_4 = vector.load %arg7[%swap3A, %swap3A_3] : memref<2048x1024xf32, #tpu.memory_space<vmem>>, vector<2048x1024xf32>
      tpu.vector_store %arg7[%swap3A, %swap3A_3], %broadcast_in_dim3A_2 {strides = array<i32>} : memref<2048x1024xf32, #tpu.memory_space<vmem>>, vector<2048x1024xf32>,
    } else {
    }
    return
  }
  func.func @transform_0(%arg0: i32, %arg1: memref<40xi32, #tpu.memory_space<smem>>, %arg2: memref<5120xi32, #tpu.memory_space<smem>>) -> (i32, i32) {
    %c0_i32 = arith.constant 0 : i32
    %c0_i32_0 = arith.constant 0 : i32
    %c0_i32_1 = arith.constant 0 : i32
    return %c0_i32, %c0_i32_0 : i32, i32
  }
  func.func @transform_1(%arg0: i32, %arg1: memref<40xi32, #tpu.memory_space<smem>>, %arg2: memref<5120xi32, #tpu.memory_space<smem>>) -> (i32, i32, i32) {
    %get3A = arith.index_cast %arg0 : i32 to index
    %get3A_0 = memref.load %arg1[%get3A] : memref<40xi32, #tpu.memory_space<smem>>
    %c0_i32 = arith.constant 0 : i32
    %c0_i32_1 = arith.constant 0 : i32
    %c0_i32_2 = arith.constant 0 : i32
    return %get3A_0, %c0_i32, %c0_i32_1 : i32, i32, i32
  }
  func.func @transform_2(%arg0: i32, %arg1: memref<40xi32, #tpu.memory_space<smem>>, %arg2: memref<5120xi32, #tpu.memory_space<smem>>) -> (i32, i32, i32) {
    %get3A = arith.index_cast %arg0 : i32 to index
    %get3A_0 = memref.load %arg1[%get3A] : memref<40xi32, #tpu.memory_space<smem>>
    %c0_i32 = arith.constant 0 : i32
    %c0_i32_1 = arith.constant 0 : i32
    %c0_i32_2 = arith.constant 0 : i32
    return %get3A_0, %c0_i32, %c0_i32_1 : i32, i32, i32
  }
  func.func @transform_3(%arg0: i32, %arg1: memref<40xi32, #tpu.memory_space<smem>>, %arg2: memref<5120xi32, #tpu.memory_space<smem>>) -> (i32, i32, i32) {
    %c0_i32 = arith.constant 0 : i32
    %c0_i32_0 = arith.constant 0 : i32
    %c0_i32_1 = arith.constant 0 : i32
    return %arg0, %c0_i32, %c0_i32_0 : i32, i32, i32
  }
  func.func @transform_4(%arg0: i32, %arg1: memref<40xi32, #tpu.memory_space<smem>>, %arg2: memref<5120xi32, #tpu.memory_space<smem>>) -> (i32, i32) {
    %c0_i32 = arith.constant 0 : i32
    %c0_i32_0 = arith.constant 0 : i32
    %c0_i32_1 = arith.constant 0 : i32
    return %c0_i32, %c0_i32_0 : i32, i32
  }
}

</mosaic_0001>

<sc_bundles>
// kernel: gather_offload_async_start
scs
__scs_entry_jumppad:
0x0: {  	(pc) =	sbr.rel $0x88, $3  }
0x1: {  	(tag) =	ssettag $0x0;
	lr =	simm.s32 $0x1  }
0x2: {  	[smem:$0x3F9C] =	sst lr;
	_ =	strace $0xD0000000  }
0x3: {  	_ = 	snop  }
0x4: {  	_ = 	snop  }
0x5: {  	_ = 	snop  }
0x6: {  	_ = 	snop  }
0x7: {  	_ = 	snop  }
__scs_overlays_trampoline_lowered:
0x8: {  	[smem:$0x3FAB] =	sst s0  }
0x9: {  	[smem:$0x3FAC] =	sst s1  }
0xa: {  	[smem:$0x3FAD] =	sst s2  }
0xb: {  	[smem:$0x3FAE] =	sst s3  }
0xc: {  	[smem:$0x3FAF] =	sst s4  }
0xd: {  	[smem:$0x3FB0] =	sst s5  }
0xe: {  	[smem:$0x3FB1] =	sst s6  }
0xf: {  	[smem:$0x3FB2] =	sst s7  }
0x10: {  	[smem:$0x3FB3] =	sst s8  }
0x11: {  	[smem:$0x3FB4] =	sst s9;
	s0 =	simm.s32 @!p0 $0x0  }
0x12: {  	s1 =	sld [smem:$0x3F9A];
	s0 =	simm.s32 @p0 $0x1  }
0x13: {  	[smem:$0x3FB5] =	sst s0;
	s0 =	simm.s32 @!p1 $0x0  }
0x14: {  	s2 =	sld [smem:$0x3F99];
	s0 =	simm.s32 @p1 $0x1  }
0x15: {  	[smem:$0x3FB6] =	sst s0;
	s0 =	simm.s32 @!p2 $0x0  }
0x16: {  	s3 =	sld [smem:$0x3FDB];
	s0 =	simm.s32 @p2 $0x1  }
0x17: {  	s4 =	simm.s32 $0x1BF5;
	[smem:$0x3FB8] =	sst s0  }
0x18: {  	s0 =	sld [smem:$0x3F9B];
	_ =	swait.ge [sflag:s4], $0x0  }
0x19: {  	s7 =	sld [smem:$0x3F9C]  }
0x1a: {  	s8 =	sadd.s32 $0xFFFFE003, lr  }
0x1b: {  	s9 =	sadd.s32 $0xFFFFFEF7, lr;
	s5 =	simm.s32 $0xFFFFFFFF;
	p2 =	slt.u32 s8, $0xFFFFF086  }
0x1c: {  	p1 =	slt.u32 s9, $0xF7A;
	s5 =	simm.s32 @!p2 $0x0  }
0x1d: {  	s5 =	simm.s32 @p1 $0x1;
	p0 =	seq.s32 s7, s2  }
0x1e: {  	s7 =	smul.u32 @!p0 $0xF7A, s2;
	p2 =	seq.s32 @!p0 s5, $0x0  }
0x1f: {  	s9 =	smul.u32 $0xF7A, s1;
	s8 =	simm.s32 @!p0 $0x1BF5;
	p2 =	por !p2, p0  }
0x20: {  	[sflag:s8] =	ssyncset.s32 @!p0 $0xFFFFF086;
	s6 =	sadd.s32 @!p0 s3, s7;
	s7 =	simm.s32 @!p0 $0x108  }
0x21: {  	s3 =	sadd.s32 s3, s9;
	s6 =	sadd.s32 @!p0 $0x88, s6;
	s7 =	simm.s32 @p2 $0x1082  }
0x22: {  	[simem:s7], [sflag:s8] =	dma.local @!p0 [hbm:s6], $0xF7A  }
0x23: {  	s9 =	sor.u32 $0xD0000000, s2;
	s6 =	simm.s32 $0x108;
	_ =	swait.ge @!p0 [sflag:s8], $0x0  }
0x24: {  	s3 =	sadd.s32 $0x88, s3;
	s6 =	simm.s32 @!p1 $0x1082;
	[sflag:s4] =	ssyncset.s32 $0xFFFFF086  }
0x25: {  	[simem:s6], [sflag:s4] =	dma.local [hbm:s3], $0xF7A  }
0x26: {  	[smem:$0x3F9C] =	sst s1;
	(tag) =	ssettag s2;
	_ =	strace s9  }
0x27: {  	s1 =	sld [smem:$0x3FAC]  }
0x28: {  	s2 =	sld [smem:$0x3FAD]  }
0x29: {  	s4 =	sld [smem:$0x3FAF]  }
0x2a: {  	p0 =	seq.s32 s5, $0x0;
	s5 =	sld [smem:$0x3FB0]  }
0x2b: {  	s6 =	sld [smem:$0x3FB1]  }
0x2c: {  	s7 =	sld [smem:$0x3FB2]  }
0x2d: {  	s3 =	simm.s32 $0x108;
	s8 =	sld [smem:$0x3FB3]  }
0x2e: {  	s3 =	simm.s32 @!p0 $0x1082;
	s9 =	sld [smem:$0x3FB4]  }
0x2f: {  	lr =	sadd.s32 s0, s3;
	s0 =	sld [smem:$0x3FAB]  }
0x30: {  	s3 =	sld [smem:$0x3FAE]  }
0x31: {  	[smem:$0x3FB7] =	sst s10  }
0x32: {  	s10 =	sld [smem:$0x3FB5];
	_ =	sdelay $0x3  }
0x33: {  	p0 =	seq.s32 s10, $0x1;
	s10 =	sld [smem:$0x3FB7];
	_ =	sdelay $0x3  }
0x34: {  	[smem:$0x3FB7] =	sst s10  }
0x35: {  	s10 =	sld [smem:$0x3FB6];
	_ =	sdelay $0x3  }
0x36: {  	p1 =	seq.s32 s10, $0x1;
	s10 =	sld [smem:$0x3FB7];
	_ =	sdelay $0x3  }
0x37: {  	[smem:$0x3FB7] =	sst s10  }
0x38: {  	s10 =	sld [smem:$0x3FB8]  }
0x39: {  	_ = 	snop;
	(pc) =	sbr.ind lr, $3  }
0x3a: {  	_ = 	snop  }
0x3b: {  	_ = 	snop  }
0x3c: {  	p2 =	seq.s32 s10, $0x1;
	s10 =	sld [smem:$0x3FB7]  }
0x3d: {  	_ =	shalt  }
0x3e: {  	_ =	shalt  }
0x3f: {  	_ =	shalt  }
0x40: {  	_ =	shalt  }
0x41: {  	_ =	shalt  }
0x42: {  	_ =	shalt  }
0x43: {  	_ =	shalt  }
0x44: {  	_ =	shalt  }
0x45: {  	_ =	shalt  }
0x46: {  	_ =	shalt  }
0x47: {  	_ =	shalt  }
0x48: {  	_ =	shalt  }
0x49: {  	_ =	shalt  }
0x4a: {  	_ =	shalt  }
0x4b: {  	_ =	shalt  }
0x4c: {  	_ =	shalt  }
0x4d: {  	_ =	shalt  }
0x4e: {  	_ =	shalt  }
0x4f: {  	_ =	shalt  }
0x50: {  	_ =	shalt  }
0x51: {  	_ =	shalt  }
0x52: {  	_ =	shalt  }
0x53: {  	_ =	shalt  }
0x54: {  	_ =	shalt  }
0x55: {  	_ =	shalt  }
0x56: {  	_ =	shalt  }
0x57: {  	_ =	shalt  }
0x58: {  	_ =	shalt  }
0x59: {  	_ =	shalt  }
0x5a: {  	_ =	shalt  }
0x5b: {  	_ =	shalt  }
0x5c: {  	_ =	shalt  }
0x5d: {  	_ =	shalt  }
0x5e: {  	_ =	shalt  }
0x5f: {  	_ =	shalt  }
0x60: {  	_ =	shalt  }
0x61: {  	_ =	shalt  }
0x62: {  	_ =	shalt  }
0x63: {  	_ =	shalt  }
0x64: {  	_ =	shalt  }
0x65: {  	_ =	shalt  }
0x66: {  	_ =	shalt  }
0x67: {  	_ =	shalt  }
0x68: {  	_ =	shalt  }
0x69: {  	_ =	shalt  }
0x6a: {  	_ =	shalt  }
0x6b: {  	_ =	shalt  }
0x6c: {  	_ =	shalt  }
0x6d: {  	_ =	shalt  }
0x6e: {  	_ =	shalt  }
0x6f: {  	_ =	shalt  }
0x70: {  	_ =	shalt  }
0x71: {  	_ =	shalt  }
0x72: {  	_ =	shalt  }
0x73: {  	_ =	shalt  }
0x74: {  	_ =	shalt  }
0x75: {  	_ =	shalt  }
0x76: {  	_ =	shalt  }
0x77: {  	_ =	shalt  }
0x78: {  	_ =	shalt  }
0x79: {  	_ =	shalt  }
0x7a: {  	_ =	shalt  }
0x7b: {  	_ =	shalt  }
0x7c: {  	_ =	shalt  }
0x7d: {  	_ =	shalt  }
0x7e: {  	_ =	shalt  }
0x7f: {  	_ =	shalt  }
0x80: {  	_ =	shalt  }
0x81: {  	_ =	shalt  }
0x82: {  	_ =	shalt  }
0x83: {  	_ =	shalt  }
0x84: {  	_ =	shalt  }
0x85: {  	_ =	shalt  }
0x86: {  	_ =	shalt  }
0x87: {  	_ =	shalt  }
.Lfunc_end0:
.L_simem_size_0:
called_computation_lowered:
.L_overlay_start_0:
0x88: {  	s2 =	sld [smem:$0x3FD9]  }
0x89: {  	s3 =	sld [smem:$0x3FFE];
	_ =	sdelay $0x1  }
0x8a: {  	s1 =	srdreg.scid  }
0x8b: {  	s0 =	sand.u32 $0x1, s1  }
0x8c: {  	s17 =	sshll.u32 s0, $0xA;
	s2 =	sadd.s32 s3, s2  }
0x8d: {  	s2 =	sadd.s32 s2, s17  }
0x8e: {  	[smem:$0x3FC3] =	sst s2  }
0x8f: {  	_ = 	snop  }
0x90: {  	s2 =	sld [smem:$0x3FD0];
	(tm) =	ssettm $0x1  }
0x91: {  	s18 =	sld [smem:$0x3FFB];
	_ =	sdelay $0x3  }
0x92: {  	_ =	strace s18  }
0x93: {  	s3 =	sld [smem:$0x3FFC];
	_ =	sdelay $0x3  }
0x94: {  	_ =	strace s3  }
0x95: {  	s3 =	sld [smem:$0x3FFD];
	_ =	sdelay $0x3  }
0x96: {  	_ =	strace s3  }
0x97: {  	_ =	strace $0x8FFFFFFF  }
0x98: {  	s19 =	sld [smem:$0x3FDB];
	_ =	sdelay $0x1  }
0x99: {  	s4 =	simm.s32 $_scs_section_size  }
0x9a: {  	s5 =	simm.s32 $_size__tile_overlayer_lowered;
	s6 =	simm.s32 $_tile_overlayer_lowered  }
0x9b: {  	s22 =	simm.s32 $0x1BFF;
	s21 =	sshll.u32 s6, $0x1;
	s3 =	sadd.s32 s4, s19  }
0x9c: {  	s7 =	simm.s32 $0x0;
	s20 =	sshll.u32 s5, $0x1;
	s5 =	sadd.s32 s21, s3  }
0x9d: {  	[timem:s7], [sflag:s22] =	dma.local [hbm:s5], s20  }
0x9e: {  	_ =	swait.ge [sflag:s22], s20  }
0x9f: {  	s4 =	ssub.s32 $0x0, s20;
	[sflag:s22] =	ssyncset.done $0x0  }
0xa0: {  	[sflag:s22] =	ssyncadd.s32 s4;
	_ =	sdelay $0x1  }
0xa1: {  	s23 =	simm.s32 $0x1B8B  }
0xa2: {  	_ =	swait.ge [sflag:s23], $0x1  }
0xa3: {  	[sflag:s23] =	ssyncset.done $0x0  }
0xa4: {  	s25 =	simm.s32 $0x1B8E;
	s24 =	sld [smem:$0x3FFE];
	[sflag:s23] =	ssyncadd.s32 $0xFFFFFFFF  }
0xa5: {  	s26 =	simm.s32 $execute0_lowered;
	[smem:$0x3FD2] =	sst s25  }
0xa6: {  	s5 =	sshll.u32 s26, $0x1;
	_ =	strace $0x80000046;
	[dreg:$0x1] =	wrdreg $0xFFFFFFFF  }
0xa7: {  	s28 =	simm.s32 $_size_execute0_lowered;
	s3 =	sadd.s32 s3, s5;
	[dreg:$0x0] =	wrdreg $0x0  }
0xa8: {  	s5 =	sshll.u32 s28, $0x1;
	[dreg:$0x2] =	wrdreg s3  }
0xa9: {  	[dreg:$0x3] =	wrdreg s5  }
0xaa: {  	[dreg:$0x4] =	wrdreg $0xC0  }
0xab: {  	_ =	task [dreg:s7], $0x5FFFF  }
0xac: {  	[dreg:$0x1] =	wrdreg $0xFFFFFFFF  }
0xad: {  	[dreg:$0x0] =	wrdreg $0x60  }
0xae: {  	[dreg:$0x2] =	wrdreg s2  }
0xaf: {  	[dreg:$0x3] =	wrdreg s24  }
0xb0: {  	[dreg:$0x4] =	wrdreg $0x9  }
0xb1: {  	_ =	task.clear_ibuf [dreg:s7], $0x5FFFF;
	_ =	strace $0x90000046  }
0xb2: {  	s29 =	simm.s32 $0x9;
	_ =	strace $0x80000048  }
0xb3: {  	_ =	swait.ge [sflag:s29], $0x1  }
0xb4: {  	[sflag:s29] =	ssyncadd.s32 $0xFFFFFFFF  }
0xb5: {  	_ =	strace $0x90000048  }
0xb6: {  	_ =	sfence  }
0xb7: {  	s30 =	sld [smem:$0x0];
	_ =	sdelay $0x2  }
0xb8: {  	s31 =	sshll.u32 s1, $0xD;
	s1 =	sshrl.u32 s1, $0x2  }
0xb9: {  	s3 =	sand.u32 $0x4000, s31;
	s1 =	sadd.s32 s1, s30  }
0xba: {  	s0 =	sor.u32 s3, s0;
	s1 =	sshll.u32 s1, $0x11  }
0xbb: {  	s0 =	sor.u32 s1, s0  }
0xbc: {  	s0 =	sadd.s32 $0x8F2B, s0  }
0xbd: {  	[sflag:s0] =	ssyncadd.remote.s32 $0x1  }
0xbe: {  	_ =	sfence.sel $0xFFFF  }
0xbf: {  	[dreg:$0x0] =	wrdreg $0xFFFFFFFF;
	(pc) =	sbr.abs _section_cstart, $3  }
0xc0: {  	[dreg:$0x1] =	wrdreg $0xFFFFFFFF  }
0xc1: {  	_ =	task.clear_ibuf [dreg:s7], $0x2FFFF;
	_ =	strace $0x9FFFFFFF  }
0xc2: {  	(tm) =	ssettm $0x7FFFFFFF  }
0xc3: {  	_ =	shalt  }
tec
execute0_lowered:
.L_overlay_start_1:
0x0: {  	(tag) =	ssettag $0x1  }
0x1: {  	s1 =	srdreg.scid;
	s2 =	rddreg [dreg:$0x0]  }
0x2: {  	s0 =	stileid.u32;
	s5 =	rddreg [dreg:$0x1];
	s6 =	simm.s32 $0x1  }
0x3: {  	s9 =	simm.s32 $0x1;
	s10 =	simm.s32 $0x3;
	s1 =	sshll.u32 s1, $0x6  }
0x4: {  	s13 =	simm.s32 $0x0;
	s3 =	sshll.u32 s0, $0x7;
	s4 =	sand.u32 $0x40, s1  }
0x5: {  	s12 =	simm.s32 $0x0;
	s1 =	rddreg [dreg:$0x2];
	s3 =	sor.u32 s3, s4  }
0x6: {  	_ =	strace $0x80000047;
	s4 =	sadd.s32 $0x200, s5;
	s8 =	ssub.s32 $0x1000, s3  }
.Ltmp0:
0x7: {  	s5 =	sadd.s32 $0x400, s5;
	s7 =	sand.u32 $0x7C0, s8;
	(pc) =	sbr.rel .LBB2_1-.Ltmp0, $4  }
0x8: {  	[sflag:s6] =	ssyncpa.u1 $0x0;
	s11 =	smov.u32 s3;
	p0 =	sne.s32 s7, $0x0  }
0x9: {  	s8 =	sshrl.u32 s8, $0xB;
	s7 =	simm.s32 $0x2;
	s9 =	simm.s32 @!p0 $0x0  }
0xa: {  	[sflag:s7] =	ssyncpa.u1 $0x0;
	p0 =	por $0x0, $0x0;
	s8 =	sadd.s32 s9, s8  }
0xb: {  	vm0 =	vmmov $0xffff;
	[sflag:s10] =	ssyncpa.u1 $0x0;
	s10 =	simm.s32 $0x0;
	s9 =	sadd.s32 $0x1, s8  }
.LBB2_4:
0xc: {  	v5 =	vshrl.u32 v1, $0xC;
	v6 =	vshll.u32 v1, $0x7  }
0xd: {  	vm1 =	veq.s32 v1, $0x80000000;
	v58 =	vand.u32 $0x7, v5;
	v59 =	vand.u32 $0x7FF80, v6  }
0xe: {  	v1 =	vsel vm1, $0xFFFFFFFF, v58;
	v5 =	vsel vm1, $0xFFFFFF80, v59  }
0xf: {  	v3 =	vor.u32 v4, v3;
	v60 =	vand.u32 $0xFFFFFC00, v5;
	v61 =	vand.u32 $0xFFFFFC00, v1  }
0x10: {  	v2 =	vor.u32 v2, v3;
	v63 =	vand.u32 $0x380, v5;
	v62 =	vadd.s32 v61, v60  }
0x11: {  	v1 =	vand.u32 $0x7F, v1;
	v3 =	vor.u32 v63, v62  }
0x12: {  	v1 =	vor.u32 v1, v3  }
0x13: {  	[tilespmem:s15], [sflag:$0x1] =	stream.indirect_vreg.gather [hbm4b:s2+s10], $0x1, v0, vm0, $0x4038;
	[tilespmem:$0x100] =	vst v63  }
0x14: {  	(ifvalue) =	ssetifvalue $0x7FFFFFFF  }
0x15: {  	[tilespmem:s16], [sflag:$0x1] =	stream.indirect_vreg.gather [hbm4b:s2+s10], $0x1, v2, vm0, $0x4038;
	[tilespmem:$0x100] =	vst v63  }
0x16: {  	s29 =	sadd.s32 $0x10, s16;
	(ifvalue) =	ssetifvalue $0x7FFFFFFF  }
0x17: {  	[tilespmem:s29], [sflag:$0x1] =	stream.indirect_vreg.gather [hbm4b:s2+s10], $0x1, v1, vm0, $0x4038;
	[tilespmem:$0x100] =	vst v63  }
0x18: {  	_ =	swait.ge [sflag:s6], $0x40  }
0x19: {  	s30 =	sshrl.u32 s13, $0x3;
	[sflag:s6] =	ssyncset.done $0x0  }
0x1a: {  	s31 =	sand.u32 $0x7, s13;
	s15 =	sadd.s32 s5, s30;
	[sflag:s6] =	ssyncadd.s32 $0xFFFFFFC0  }
0x1b: {  	[hbm4b:s15+s31] =	stream.linear.scatter [tilespmem:s14], [sflag:$0x3], $0x40, $0x38;
	[tilespmem:$0x100] =	vst v63  }
.LBB2_5:
0x1c: {  	s15 =	sadd.s32 $0x800, s11  }
0x1d: {  	p2 =	sgt.s32 s15, $0xFFF  }
0x1e: {  	s15 =	smov.u32 @p2 s3;
	p2 =	sne.s32 s12, s9  }
.Ltmp1:
0x1f: {  	p1 =	slt.u32 s12, $0x2;
	(pc) =	sbr.rel @!p2 .LBB2_6-.Ltmp1, $4  }
0x20: {  	s14 =	simm.s32 @!p1 $0x3  }
0x21: {  	s16 =	sadd.s32 $0x1, s12;
	_ =	swait.ge @!p1 [sflag:s14], $0x40  }
0x22: {  	s13 =	smov.u32 s11;
	p0 =	por !p0, !p0;
	[sflag:s14] =	ssyncset.done @!p1 $0x0  }
0x23: {  	s12 =	smov.u32 s16;
	s11 =	smov.u32 s15;
	[sflag:s14] =	ssyncadd.s32 @!p1 $0xFFFFFFC0  }
.LBB2_1:
0x24: {  	p1 =	sge.u32 s12, s8  }
0x25: {  	s14 =	sxor.u32 @!p1 $0xFFFFFFFF, s12  }
0x26: {  	s31 =	sadd.s32 $0xFFFFFFFF, s12;
	s15 =	sshrl.u32 @!p1 s11, $0x3;
	s14 =	sshll.u32 @!p1 s14, $0x6  }
0x27: {  	s16 =	sand.u32 @!p1 $0x7, s11;
	s15 =	sadd.s32 @!p1 s4, s15;
	s14 =	sand.u32 @!p1 $0x40, s14  }
0x28: {  	[tilespmem:s14], [sflag:$0x2] =	stream.linear.gather @!p1 [hbm4b:s15+s16], $0x40, $0x38;
	[tilespmem:$0x100] =	vst v63  }
0x29: {  	p1 =	sge.u32 s31, s8  }
.Ltmp2:
0x2a: {  	_ = 	snop;
	(pc) =	sbr.rel @p1 .LBB2_5-.Ltmp2, $1  }
0x2b: {  	_ =	sdelay $0x3  }
0x2c: {  	s14 =	simm.s32 $0x1  }
0x2d: {  	_ =	swait.ge [sflag:s7], $0x40;
	s14 =	simm.s32 @!p0 $0x0  }
0x2e: {  	[sflag:s7] =	ssyncset.done $0x0;
	s14 =	sshll.u32 s14, $0x6  }
0x2f: {  	[sflag:s7] =	ssyncadd.s32 $0xFFFFFFC0;
	(ifvalue) =	ssetifvalue $0x7FFFFFFF;
	v0 =	vld.msk [tilespmem:s14+$0x0 ss:$0x1], $0xffff;
	_ =	sdelay $0x4  }
0x30: {  	s15 =	sadd.s32 $0x10, s14;
	v2 =	vshrl.u32 v0, $0xC;
	v3 =	vshll.u32 v0, $0x7  }
0x31: {  	v1 =	vld.msk [tilespmem:s15+$0x0 ss:$0x1], $0xffff;
	vm1 =	veq.s32 v0, $0x80000000;
	v0 =	vand.u32 $0x7, v2;
	v2 =	vand.u32 $0x7FF80, v3  }
0x32: {  	v0 =	vsel vm1, $0xFFFFFFFF, v0;
	v2 =	vsel vm1, $0xFFFFFF80, v2  }
0x33: {  	v3 =	vand.u32 $0xFFFFFC00, v2;
	v4 =	vand.u32 $0xFFFFFC00, v0  }
0x34: {  	v2 =	vand.u32 $0x380, v2;
	v3 =	vadd.s32 v4, v3  }
0x35: {  	v0 =	vand.u32 $0x7F, v0;
	v2 =	vor.u32 v2, v3  }
0x36: {  	v5 =	vshll.u32 v1, $0x7;
	v4 =	vshrl.u32 v1, $0xC;
	v0 =	vor.u32 v0, v2  }
0x37: {  	s16 =	sshll.u32 s12, $0x6;
	vm1 =	veq.s32 v1, $0x80000000;
	v1 =	vand.u32 $0x7, v4;
	v4 =	vand.u32 $0x7FF80, v5  }
0x38: {  	s16 =	sand.u32 $0x40, s16;
	s18 =	sadd.s32 $0x10, s15;
	v3 =	vsel vm1, $0xFFFFFFFF, v1;
	v4 =	vsel vm1, $0xFFFFFF80, v4  }
0x39: {  	s17 =	simm.s32 $0x20;
	s15 =	sor.u32 $0x80, s14;
	s14 =	sor.u32 $0x80, s16;
	v1 =	vld.msk [tilespmem:s18+$0x0 ss:$0x1], $0xffff;
	v5 =	vand.u32 $0xFFFFFC00, v4;
	v6 =	vand.u32 $0xFFFFFC00, v3  }
0x3a: {  	s16 =	sadd.s32 $0x10, s15;
	s18 =	sadd.s32 $0x10, s18;
	(ifvalue) =	ssetifvalue $0x7FFFFFFF;
	v2 =	vand.u32 $0x7F, v3;
	v4 =	vand.u32 $0x380, v4;
	v3 =	vadd.s32 v6, v5  }
.LBB2_3:
0x3b: {  	[tilespmem:s15], [sflag:$0x1] =	stream.indirect_vreg.gather [hbm4b:s2+s10], $0x1, v0, vm0, $0x4038;
	[tilespmem:$0x100] =	vst v63  }
0x3c: {  	s17 =	sadd.s32 $0x10, s17  }
0x3d: {  	v3 =	vor.u32 v4, v3;
	p1 =	slt.u32 s17, $0x30  }
.Ltmp3:
0x3e: {  	v4 =	vshrl.u32 v1, $0xC;
	v5 =	vshll.u32 v1, $0x7;
	s15 =	smov.u32 s16;
	v0 =	vor.u32 v2, v3;
	v2 =	vmovc v1;
	v1 =	vld.msk [tilespmem:s18+$0x0 ss:$0x1], $0xffff;
	(pc) =	sbr.rel @p1 .LBB2_3-.Ltmp3, $4  }
0x3f: {  	v3 =	vand.u32 $0x7FF80, v5;
	vm1 =	veq.s32 v2, $0x80000000;
	v2 =	vand.u32 $0x7, v4  }
0x40: {  	v4 =	vsel vm1, $0xFFFFFFFF, v2;
	v5 =	vsel vm1, $0xFFFFFF80, v3  }
0x41: {  	v2 =	vand.u32 $0x7F, v4;
	v3 =	vand.u32 $0xFFFFFC00, v5;
	v4 =	vand.u32 $0xFFFFFC00, v4  }
0x42: {  	s16 =	sadd.s32 $0x10, s16;
	s18 =	sadd.s32 $0x10, s18;
	v3 =	vadd.s32 v4, v3;
	v4 =	vand.u32 $0x380, v5;
	(ifvalue) =	ssetifvalue $0x7FFFFFFF  }
.Ltmp4:
0x43: {  	_ = 	snop;
	(pc) =	sbr.rel .LBB2_4-.Ltmp4, $1  }
0x44: {  	_ =	sdelay $0x3  }
.LBB2_6:
0x45: {  	_ =	sfence.sel $0x180000  }
0x46: {  	s2 =	simm.s32 $0x2;
	[bflag:$0x0] =	sbarrier.arrive $0xFFFF  }
0x47: {  	s30 =	simm.s32 $0x3;
	[sflag:s2] =	ssyncpa.u1 $0x1  }
0x48: {  	s31 =	simm.s32 $0x1;
	[sflag:s30] =	ssyncpa.u1 $0x1  }
0x49: {  	[sflag:s31] =	ssyncpa.u1 $0x1  }
0x4a: {  	p0 =	sne.s32 s0, $0x0;
	_ =	strace $0x90000047  }
0x4b: {  	s0 =	sadd.s32 @!p0 $0x100000, s1;
	[bflag:$0x2] =	sbarrier.arrive $0xFFFF  }
0x4c: {  	[sflag:s0] =	ssyncadd.tile.s32 @!p0 $0x1;
	_ =	shalt  }
.Lfunc_end2:
_tile_overlayer_lowered:
.L_overlay_start_2:
0x4d: {  	(tag) =	ssettag $0x2  }
0x4e: {  	s0 =	rddreg [dreg:$0x0];
	s2 =	stileid.u32  }
0x4f: {  	s1 =	rddreg [dreg:$0x1];
	p0 =	sne.s32 s2, $0x0  }
0x50: {  	s3 =	rddreg [dreg:$0x2];
	[bflag:$0x3] =	sbarrier.arrive $0xFFFF;
	s2 =	simm.s32 @!p0 $0x1C01  }
0x51: {  	[timem:s3], [sflag:s2] =	dma.local @!p0 [hbm:s0], s1  }
0x52: {  	s0 =	simm.s32 @!p0 $0x1  }
0x53: {  	_ =	swait.ge @!p0 [sflag:s0], s1  }
0x54: {  	s1 =	ssub.s32 @!p0 $0x0, s1;
	[sflag:s0] =	ssyncset.done @!p0 $0x0  }
0x55: {  	[sflag:s0] =	ssyncadd.s32 @!p0 s1  }
0x56: {  	[bflag:$0x3] =	sbarrier.arrive $0xFFFF  }
0x57: {  	_ =	shalt  }

</sc_bundles>
